<compile_context>
chip_gen: v7x
topology: tpu7x:2x2x1
jax: 0.10.2.dev20260603
libtpu: 0.0.44.dev20260713+nightly
codegen_flags: <defaults>
</compile_context>

<pallas_src>
import functools

import jax
import jax.numpy as jnp
from jax import lax
from jax.experimental import pallas as pl
from jax.experimental.pallas import tpu as pltpu
from jax.experimental.pallas import tpu_sc as plsc

N = 10000
E = 320000
H = 128
NORM = 100.0

NHI = 80
NPAD = NHI * 128

NC = 2
NS = 16
NW = NC * NS
EPW = E // NW
BLK = 80

EB = 3200
GRID = E // EB


@functools.lru_cache(maxsize=None)
def _sc_mesh():
    return plsc.VectorSubcoreMesh(core_axis_name="c", subcore_axis_name="s",
                                  num_cores=NC, num_subcores=NS)


def _silu(x):
    return x * jax.nn.sigmoid(x)


def _proj_body(h_ref, wa_ref, wb_ref, b1_ref, a_ref, b_ref):
    h = h_ref[...]
    a_ref[...] = jnp.dot(h, wa_ref[...], preferred_element_type=jnp.float32)
    b_ref[...] = jnp.dot(h, wb_ref[...], preferred_element_type=jnp.float32) \
        + b1_ref[...]


def _node_proj(h, Wa, Wb, b1row):
    nb = 2000
    return pl.pallas_call(
        _proj_body,
        grid=(N // nb,),
        in_specs=[
            pl.BlockSpec((nb, H), lambda i: (i, 0)),
            pl.BlockSpec((H, H), lambda i: (0, 0)),
            pl.BlockSpec((H, H), lambda i: (0, 0)),
            pl.BlockSpec((1, H), lambda i: (0, 0)),
        ],
        out_specs=[
            pl.BlockSpec((nb, H), lambda i: (i, 0)),
            pl.BlockSpec((nb, H), lambda i: (i, 0)),
        ],
        out_shape=[
            jax.ShapeDtypeStruct((N, H), jnp.float32),
            jax.ShapeDtypeStruct((N, H), jnp.float32),
        ],
    )(h, Wa, Wb, b1row)


def _gather_body(a_hbm, b_hbm, row_hbm, col_hbm, pre_hbm,
                 idxr, idxc, buf0, buf1, sema0, semb0, sema1, semb1):
    cid = lax.axis_index("c")
    sid = lax.axis_index("s")
    wid = sid * NC + cid
    base = wid * EPW
    pltpu.sync_copy(row_hbm.at[pl.ds(base, EPW)], idxr)
    pltpu.sync_copy(col_hbm.at[pl.ds(base, EPW)], idxc)

    def issue_a(t, buf, sa):
        off = t * BLK
        pltpu.async_copy(a_hbm.at[idxr.at[pl.ds(off, BLK)]], buf, sa)

    def finish(t, buf, sa, sb):
        off = t * BLK
        pltpu.make_async_copy(
            a_hbm.at[idxr.at[pl.ds(off, BLK)]], buf, sa).wait()
        pltpu.async_copy(
            b_hbm.at[idxc.at[pl.ds(off, BLK)]], buf, sb, add=True)
        pltpu.make_async_copy(
            b_hbm.at[idxc.at[pl.ds(off, BLK)]], buf, sb).wait()
        pltpu.sync_copy(buf, pre_hbm.at[pl.ds(base + off, BLK)])

    nblk = EPW // BLK
    issue_a(0, buf0, sema0)

    def step(k, carry):
        issue_a(2 * k + 1, buf1, sema1)
        finish(2 * k, buf0, sema0, semb0)
        issue_a(2 * k + 2, buf0, sema0)
        finish(2 * k + 1, buf1, sema1, semb1)
        return carry

    lax.fori_loop(0, (nblk - 1) // 2, step, 0)
    finish(nblk - 1, buf0, sema0, semb0)


def _edge_gather(A, B, row, col):
    return pl.kernel(
        _gather_body,
        out_type=jax.ShapeDtypeStruct((E, H), jnp.float32),
        mesh=_sc_mesh(),
        scratch_types=[
            pltpu.VMEM((EPW,), jnp.int32),
            pltpu.VMEM((EPW,), jnp.int32),
            pltpu.VMEM((BLK, H), jnp.float32),
            pltpu.VMEM((BLK, H), jnp.float32),
            pltpu.SemaphoreType.DMA,
            pltpu.SemaphoreType.DMA,
            pltpu.SemaphoreType.DMA,
            pltpu.SemaphoreType.DMA,
        ],
    )(A, B, row, col)


def _mlp_body(pre_ref, attr_ref, cd_ref, row_ref, rowt_ref, w2t_ref,
              b2_ref, w1c_ref, w3_ref, coordt_ref, out_ref):
    i = pl.program_id(0)

    pre = pre_ref[...] + attr_ref[...] * w1c_ref[...]
    x1 = _silu(pre)
    x2 = _silu(jnp.dot(x1.astype(jnp.bfloat16), w2t_ref[...],
                       preferred_element_type=jnp.float32) + b2_ref[...])
    m = jnp.sum(x2 * w3_ref[...], axis=1, keepdims=True)

    row = row_ref[...]
    lo = row & 127
    lanes = lax.broadcasted_iota(jnp.int32, (EB, 128), 1)
    oh_lo = jnp.where(lanes == lo, 1.0, 0.0)

    hit = lax.shift_right_logical(rowt_ref[...], 7)
    hrows = lax.broadcasted_iota(jnp.int32, (NHI, EB), 0)
    oh_hit = jnp.where(hrows == hit, 1.0, 0.0).astype(jnp.bfloat16)

    @pl.when(i == 0)
    def _():
        out_ref[...] = coordt_ref[...] * NORM

    trans = cd_ref[...] * m
    for c in range(3):
        scaled = (oh_lo * trans[:, c:c + 1]).astype(jnp.bfloat16)
        out_ref[c, :, :] += jnp.dot(oh_hit, scaled,
                                    preferred_element_type=jnp.float32)

    @pl.when(i == GRID - 1)
    def _():
        out_ref[...] = out_ref[...] * (1.0 / NORM)


def _edge_mlp_agg(pre, attr, cd, row2d, rowt2d, W2T, b2row, w1crow,
                  w3row, coordt):
    return pl.pallas_call(
        _mlp_body,
        grid=(GRID,),
        in_specs=[
            pl.BlockSpec((EB, H), lambda i: (i, 0)),
            pl.BlockSpec((EB, 1), lambda i: (i, 0)),
            pl.BlockSpec((EB, 3), lambda i: (i, 0)),
            pl.BlockSpec((EB, 1), lambda i: (i, 0)),
            pl.BlockSpec((1, EB), lambda i: (0, i)),
            pl.BlockSpec((H, H), lambda i: (0, 0)),
            pl.BlockSpec((1, H), lambda i: (0, 0)),
            pl.BlockSpec((1, H), lambda i: (0, 0)),
            pl.BlockSpec((1, H), lambda i: (0, 0)),
            pl.BlockSpec((3, NHI, 128), lambda i: (0, 0, 0)),
        ],
        out_specs=pl.BlockSpec((3, NHI, 128), lambda i: (0, 0, 0)),
        out_shape=jax.ShapeDtypeStruct((3, NHI, 128), jnp.float32),
    )(pre, attr, cd, row2d, rowt2d, W2T, b2row, w1crow, w3row, coordt)


@jax.jit
def kernel(h, coord, coord_diff, edge_attr, W1, b1, W2, b2, W3, edge_index):
    W1T = W1.T
    Wa = W1T[:H, :]
    Wb = W1T[H:2 * H, :]
    w1c = W1T[2 * H, :].reshape(1, H)
    b1row = b1.reshape(1, H)
    b2row = b2.reshape(1, H)
    w3row = W3.reshape(1, H)
    W2T = W2.T

    row = edge_index[0]
    col = edge_index[1]
    row2d = row.reshape(E, 1)
    rowt2d = row.reshape(1, E)
    coordt = jnp.concatenate(
        [coord.T, jnp.zeros((3, NPAD - N), jnp.float32)], axis=1
    ).reshape(3, NHI, 128)

    A, B = _node_proj(h, Wa, Wb, b1row)
    pre = _edge_gather(A, B, row, col)
    outt = _edge_mlp_agg(pre, edge_attr, coord_diff, row2d, rowt2d,
                         W2T.astype(jnp.bfloat16), b2row, w1c, w3row, coordt)
    return outt.reshape(3, NPAD)[:, :N].T

# --- scband reference (transcript-rebuilt; emitter-appended) ---
"""Pipeline reference for scband-equivariant-update-25829933318648 (READ-ONLY COPY).

The authoritative reference and input builder live on the scoring server;
editing this copy changes nothing except your own understanding.
"""

import jax, jax.numpy as jnp
import numpy as np

N = 10000
E = 320000
H = 128
D_EDGE = 1
NORM = 100.0


def silu(x):
    return x * jax.nn.sigmoid(x)


def setup_inputs(seed: int = 0) -> dict:
    key = jax.random.key(seed)
    ks = jax.random.split(key, 8)
    h = jax.random.normal(ks[0], (N, H), dtype=jnp.float32)
    coord = jax.random.normal(ks[1], (N, 3), dtype=jnp.float32)
    edge_index = jax.random.randint(ks[2], (2, E), 0, N, dtype=jnp.int32)
    coord_diff = jax.random.normal(ks[3], (E, 3), dtype=jnp.float32)
    edge_attr = jax.random.normal(ks[4], (E, D_EDGE), dtype=jnp.float32)
    input_edge = 2 * H + D_EDGE
    # coord_mlp params (torch Linear stores weight as [out, in])
    W1 = jax.random.normal(ks[5], (H, input_edge), dtype=jnp.float32) * (1.0 / np.sqrt(input_edge))
    b1 = jnp.zeros((H,), dtype=jnp.float32)
    W2 = jax.random.normal(ks[6], (H, H), dtype=jnp.float32) * (1.0 / np.sqrt(H))
    b2 = jnp.zeros((H,), dtype=jnp.float32)
    # final layer xavier_uniform with gain=0.001 -> tiny weights, no bias
    W3 = jax.random.normal(ks[7], (1, H), dtype=jnp.float32) * 0.001
    return {
        "h": h,
        "coord": coord,
        "coord_diff": coord_diff,
        "edge_attr": edge_attr,
        "W1": W1,
        "b1": b1,
        "W2": W2,
        "b2": b2,
        "W3": W3,
        "edge_index": edge_index,
    }


def reference(h, coord, coord_diff, edge_attr, W1, b1, W2, b2, W3, edge_index):
    row = edge_index[0]
    col = edge_index[1]
    # gather endpoint features per edge
    inp = jnp.concatenate([jnp.take(h, row, axis=0), jnp.take(h, col, axis=0), edge_attr], axis=1)
    x = silu(inp @ W1.T + b1)
    x = silu(x @ W2.T + b2)
    m = x @ W3.T  # [E, 1]
    trans = coord_diff * m  # tanh=False path
    # unsorted_segment_sum with aggregation 'sum' -> scatter-add then divide by normalization_factor
    agg = jax.ops.segment_sum(trans, row, num_segments=N) / NORM
    return coord + agg

if __name__ == "__main__":
    import jax
    _d = setup_inputs()
    print(jax.jit(kernel)(*tuple(_d.values())))

</pallas_src>

<mosaic_0001>
#map = affine_map<(d0, d1) -> (0, 0)>
#map1 = affine_map<(d0, d1) -> (0)>
module attributes {stable_mosaic.version = 14 : i64} {
  func.func @_gather_body(%arg0: i32, %arg1: i32, %arg2: memref<10000x128xf32, #tpu.memory_space<hbm>>, %arg3: memref<10000x128xf32, #tpu.memory_space<hbm>>, %arg4: memref<320000xi32, #tpu.memory_space<hbm>>, %arg5: memref<320000xi32, #tpu.memory_space<hbm>>, %arg6: memref<320000x128xf32, #tpu.memory_space<hbm>>, %arg7: memref<10000xi32, #tpu.memory_space<vmem>>, %arg8: memref<10000xi32, #tpu.memory_space<vmem>>, %arg9: memref<80x128xf32, #tpu.memory_space<vmem>>, %arg10: memref<80x128xf32, #tpu.memory_space<vmem>>, %arg11: memref<!tpu.dma_semaphore, #tpu.memory_space<semaphore_mem>>, %arg12: memref<!tpu.dma_semaphore, #tpu.memory_space<semaphore_mem>>, %arg13: memref<!tpu.dma_semaphore, #tpu.memory_space<semaphore_mem>>, %arg14: memref<!tpu.dma_semaphore, #tpu.memory_space<semaphore_mem>>) attributes {dimension_semantics = [#tpu.dimension_semantics<core_parallel>, #tpu.dimension_semantics<subcore_parallel>], iteration_bounds = array<i64: 2, 16>, scalar_prefetch = 0 : i64, scratch_operands = 8 : i64, tpu.core_type = #tpu.core_type<sc_vector_subcore>, window_params = [{transform_indices = #map}, {transform_indices = #map}, {transform_indices = #map1}, {transform_indices = #map1}, {transform_indices = #map}]} {
    %mul3A = arith.constant 2 : i32
    %mul3A_0 = arith.muli %arg1, %mul3A : i32
    %add3A = arith.addi %mul3A_0, %arg0 : i32
    %mul3A_1 = arith.constant 10000 : i32
    %mul3A_2 = arith.muli %add3A, %mul3A_1 : i32
    "tpu.region"() ({
      %run_scoped3A = tpu.sem_alloc : memref<!tpu.dma_semaphore, #tpu.memory_space<semaphore_mem>>
      %dma_start3A_28 = tpu.memref_slice %arg4[%mul3A_2] : memref<320000xi32, #tpu.memory_space<hbm>> -> memref<10000xi32, #tpu.memory_space<hbm>>
      %dma_start3A_29 = tpu.memref_slice %arg4[%mul3A_2] : memref<320000xi32, #tpu.memory_space<hbm>> -> memref<10000xi32, #tpu.memory_space<hbm>>
      tpu.enqueue_dma source(%dma_start3A_29 : memref<10000xi32, #tpu.memory_space<hbm>>) target(%arg7 : memref<10000xi32, #tpu.memory_space<vmem>>) target_semaphore(%run_scoped3A : memref<!tpu.dma_semaphore, #tpu.memory_space<semaphore_mem>>)
      %dma_wait3A_30 = tpu.memref_slice %arg4[%mul3A_2] : memref<320000xi32, #tpu.memory_space<hbm>> -> memref<10000xi32, #tpu.memory_space<hbm>>
      %dma_wait3A_31 = tpu.memref_slice %arg4[%mul3A_2] : memref<320000xi32, #tpu.memory_space<hbm>> -> memref<10000xi32, #tpu.memory_space<hbm>>
      tpu.wait_dma2 semaphore(%run_scoped3A : memref<!tpu.dma_semaphore, #tpu.memory_space<semaphore_mem>>) src(%dma_wait3A_31 : memref<10000xi32, #tpu.memory_space<hbm>>) dst(%arg7 : memref<10000xi32, #tpu.memory_space<vmem>>)
      tpu.yield
    }) : () -> ()
    "tpu.region"() ({
      %run_scoped3A = tpu.sem_alloc : memref<!tpu.dma_semaphore, #tpu.memory_space<semaphore_mem>>
      %dma_start3A_28 = tpu.memref_slice %arg5[%mul3A_2] : memref<320000xi32, #tpu.memory_space<hbm>> -> memref<10000xi32, #tpu.memory_space<hbm>>
      %dma_start3A_29 = tpu.memref_slice %arg5[%mul3A_2] : memref<320000xi32, #tpu.memory_space<hbm>> -> memref<10000xi32, #tpu.memory_space<hbm>>
      tpu.enqueue_dma source(%dma_start3A_29 : memref<10000xi32, #tpu.memory_space<hbm>>) target(%arg8 : memref<10000xi32, #tpu.memory_space<vmem>>) target_semaphore(%run_scoped3A : memref<!tpu.dma_semaphore, #tpu.memory_space<semaphore_mem>>)
      %dma_wait3A_30 = tpu.memref_slice %arg5[%mul3A_2] : memref<320000xi32, #tpu.memory_space<hbm>> -> memref<10000xi32, #tpu.memory_space<hbm>>
      %dma_wait3A_31 = tpu.memref_slice %arg5[%mul3A_2] : memref<320000xi32, #tpu.memory_space<hbm>> -> memref<10000xi32, #tpu.memory_space<hbm>>
      tpu.wait_dma2 semaphore(%run_scoped3A : memref<!tpu.dma_semaphore, #tpu.memory_space<semaphore_mem>>) src(%dma_wait3A_31 : memref<10000xi32, #tpu.memory_space<hbm>>) dst(%arg8 : memref<10000xi32, #tpu.memory_space<vmem>>)
      tpu.yield
    }) : () -> ()
    %dma_start3A = arith.constant 0 : i32
    %dma_start3A_3 = tpu.memref_slice %arg7[%dma_start3A] : memref<10000xi32, #tpu.memory_space<vmem>> -> memref<80xi32, #tpu.memory_space<vmem>>
    %dma_start3A_4 = arith.constant 0 : i32
    %dma_start3A_5 = arith.constant 0 : i32
    %dma_start3A_6 = tpu.memref_slice %arg2[%dma_start3A_4, %dma_start3A_5] : memref<10000x128xf32, #tpu.memory_space<hbm>> -> memref<10000x128xf32, #tpu.memory_space<hbm>>
    tpu.enqueue_indirect_dma source(%dma_start3A_6 : memref<10000x128xf32, #tpu.memory_space<hbm>>) target(%arg9 : memref<80x128xf32, #tpu.memory_space<vmem>>) offsets(%dma_start3A_3 : memref<80xi32, #tpu.memory_space<vmem>>) semaphore(%arg11 : memref<!tpu.dma_semaphore, #tpu.memory_space<semaphore_mem>>)
    %scan3A = arith.constant 0 : i32
    %scan3A_7 = arith.constant 0 : i32
    %scan3A_8 = arith.constant 62 : i32
    %scan3A_9 = arith.addi %scan3A_7, %scan3A_8 : i32
    %scan3A_10 = arith.constant 1 : i32
    scf.for %scan3A_28 = %scan3A_7 to %scan3A_9 step %scan3A_10  : i32 {
      %mul3A_29 = arith.constant 2 : i32
      %mul3A_30 = arith.muli %mul3A_29, %scan3A_28 : i32
      %add3A_31 = arith.constant 1 : i32
      %add3A_32 = arith.addi %mul3A_30, %add3A_31 : i32
      %mul3A_33 = arith.constant 80 : i32
      %mul3A_34 = arith.muli %add3A_32, %mul3A_33 : i32
      %dma_start3A_35 = tpu.memref_slice %arg7[%mul3A_34] : memref<10000xi32, #tpu.memory_space<vmem>> -> memref<80xi32, #tpu.memory_space<vmem>>
      %dma_start3A_36 = arith.constant 0 : i32
      %dma_start3A_37 = arith.constant 0 : i32
      %dma_start3A_38 = tpu.memref_slice %arg2[%dma_start3A_36, %dma_start3A_37] : memref<10000x128xf32, #tpu.memory_space<hbm>> -> memref<10000x128xf32, #tpu.memory_space<hbm>>
      tpu.enqueue_indirect_dma source(%dma_start3A_38 : memref<10000x128xf32, #tpu.memory_space<hbm>>) target(%arg10 : memref<80x128xf32, #tpu.memory_space<vmem>>) offsets(%dma_start3A_35 : memref<80xi32, #tpu.memory_space<vmem>>) semaphore(%arg13 : memref<!tpu.dma_semaphore, #tpu.memory_space<semaphore_mem>>)
      %mul3A_39 = arith.constant 2 : i32
      %mul3A_40 = arith.muli %mul3A_39, %scan3A_28 : i32
      %mul3A_41 = arith.constant 80 : i32
      %mul3A_42 = arith.muli %mul3A_40, %mul3A_41 : i32
      %dma_wait3A_43 = tpu.memref_slice %arg7[%mul3A_42] : memref<10000xi32, #tpu.memory_space<vmem>> -> memref<80xi32, #tpu.memory_space<vmem>>
      %dma_wait3A_44 = arith.constant 0 : i32
      %dma_wait3A_45 = arith.constant 0 : i32
      %dma_wait3A_46 = tpu.memref_slice %arg2[%dma_wait3A_44, %dma_wait3A_45] : memref<10000x128xf32, #tpu.memory_space<hbm>> -> memref<10000x128xf32, #tpu.memory_space<hbm>>
      tpu.wait_indirect_dma semaphore(%arg11 : memref<!tpu.dma_semaphore, #tpu.memory_space<semaphore_mem>>) src(%dma_wait3A_46 : memref<10000x128xf32, #tpu.memory_space<hbm>>) dst(%arg9 : memref<80x128xf32, #tpu.memory_space<vmem>>)
      %dma_start3A_47 = tpu.memref_slice %arg8[%mul3A_42] : memref<10000xi32, #tpu.memory_space<vmem>> -> memref<80xi32, #tpu.memory_space<vmem>>
      %dma_start3A_48 = arith.constant 0 : i32
      %dma_start3A_49 = arith.constant 0 : i32
      %dma_start3A_50 = tpu.memref_slice %arg3[%dma_start3A_48, %dma_start3A_49] : memref<10000x128xf32, #tpu.memory_space<hbm>> -> memref<10000x128xf32, #tpu.memory_space<hbm>>
      tpu.enqueue_indirect_dma source(%dma_start3A_50 : memref<10000x128xf32, #tpu.memory_space<hbm>>) target(%arg9 : memref<80x128xf32, #tpu.memory_space<vmem>>) offsets(%dma_start3A_47 : memref<80xi32, #tpu.memory_space<vmem>>) semaphore(%arg12 : memref<!tpu.dma_semaphore, #tpu.memory_space<semaphore_mem>>) {add = true}
      %dma_wait3A_51 = tpu.memref_slice %arg8[%mul3A_42] : memref<10000xi32, #tpu.memory_space<vmem>> -> memref<80xi32, #tpu.memory_space<vmem>>
      %dma_wait3A_52 = arith.constant 0 : i32
      %dma_wait3A_53 = arith.constant 0 : i32
      %dma_wait3A_54 = tpu.memref_slice %arg3[%dma_wait3A_52, %dma_wait3A_53] : memref<10000x128xf32, #tpu.memory_space<hbm>> -> memref<10000x128xf32, #tpu.memory_space<hbm>>
      tpu.wait_indirect_dma semaphore(%arg12 : memref<!tpu.dma_semaphore, #tpu.memory_space<semaphore_mem>>) src(%dma_wait3A_54 : memref<10000x128xf32, #tpu.memory_space<hbm>>) dst(%arg9 : memref<80x128xf32, #tpu.memory_space<vmem>>)
      %add3A_55 = arith.addi %mul3A_2, %mul3A_42 : i32
      "tpu.region"() ({
        %run_scoped3A = tpu.sem_alloc : memref<!tpu.dma_semaphore, #tpu.memory_space<semaphore_mem>>
        %dma_start3A_85 = arith.constant 0 : i32
        %dma_start3A_86 = tpu.memref_slice %arg6[%add3A_55, %dma_start3A_85] : memref<320000x128xf32, #tpu.memory_space<hbm>> -> memref<80x128xf32, #tpu.memory_space<hbm>>
        %dma_start3A_87 = arith.constant 0 : i32
        %dma_start3A_88 = tpu.memref_slice %arg6[%add3A_55, %dma_start3A_87] : memref<320000x128xf32, #tpu.memory_space<hbm>> -> memref<80x128xf32, #tpu.memory_space<hbm>>
        tpu.enqueue_dma source(%arg9 : memref<80x128xf32, #tpu.memory_space<vmem>>) target(%dma_start3A_88 : memref<80x128xf32, #tpu.memory_space<hbm>>) target_semaphore(%run_scoped3A : memref<!tpu.dma_semaphore, #tpu.memory_space<semaphore_mem>>)
        %dma_wait3A_89 = arith.constant 0 : i32
        %dma_wait3A_90 = tpu.memref_slice %arg6[%add3A_55, %dma_wait3A_89] : memref<320000x128xf32, #tpu.memory_space<hbm>> -> memref<80x128xf32, #tpu.memory_space<hbm>>
        %dma_wait3A_91 = arith.constant 0 : i32
        %dma_wait3A_92 = tpu.memref_slice %arg6[%add3A_55, %dma_wait3A_91] : memref<320000x128xf32, #tpu.memory_space<hbm>> -> memref<80x128xf32, #tpu.memory_space<hbm>>
        tpu.wait_dma2 semaphore(%run_scoped3A : memref<!tpu.dma_semaphore, #tpu.memory_space<semaphore_mem>>) src(%arg9 : memref<80x128xf32, #tpu.memory_space<vmem>>) dst(%dma_wait3A_92 : memref<80x128xf32, #tpu.memory_space<hbm>>)
        tpu.yield
      }) : () -> ()
      %mul3A_56 = arith.constant 2 : i32
      %mul3A_57 = arith.muli %mul3A_56, %scan3A_28 : i32
      %add3A_58 = arith.constant 2 : i32
      %add3A_59 = arith.addi %mul3A_57, %add3A_58 : i32
      %mul3A_60 = arith.constant 80 : i32
      %mul3A_61 = arith.muli %add3A_59, %mul3A_60 : i32
      %dma_start3A_62 = tpu.memref_slice %arg7[%mul3A_61] : memref<10000xi32, #tpu.memory_space<vmem>> -> memref<80xi32, #tpu.memory_space<vmem>>
      %dma_start3A_63 = arith.constant 0 : i32
      %dma_start3A_64 = arith.constant 0 : i32
      %dma_start3A_65 = tpu.memref_slice %arg2[%dma_start3A_63, %dma_start3A_64] : memref<10000x128xf32, #tpu.memory_space<hbm>> -> memref<10000x128xf32, #tpu.memory_space<hbm>>
      tpu.enqueue_indirect_dma source(%dma_start3A_65 : memref<10000x128xf32, #tpu.memory_space<hbm>>) target(%arg9 : memref<80x128xf32, #tpu.memory_space<vmem>>) offsets(%dma_start3A_62 : memref<80xi32, #tpu.memory_space<vmem>>) semaphore(%arg11 : memref<!tpu.dma_semaphore, #tpu.memory_space<semaphore_mem>>)
      %mul3A_66 = arith.constant 2 : i32
      %mul3A_67 = arith.muli %mul3A_66, %scan3A_28 : i32
      %add3A_68 = arith.constant 1 : i32
      %add3A_69 = arith.addi %mul3A_67, %add3A_68 : i32
      %mul3A_70 = arith.constant 80 : i32
      %mul3A_71 = arith.muli %add3A_69, %mul3A_70 : i32
      %dma_wait3A_72 = tpu.memref_slice %arg7[%mul3A_71] : memref<10000xi32, #tpu.memory_space<vmem>> -> memref<80xi32, #tpu.memory_space<vmem>>
      %dma_wait3A_73 = arith.constant 0 : i32
      %dma_wait3A_74 = arith.constant 0 : i32
      %dma_wait3A_75 = tpu.memref_slice %arg2[%dma_wait3A_73, %dma_wait3A_74] : memref<10000x128xf32, #tpu.memory_space<hbm>> -> memref<10000x128xf32, #tpu.memory_space<hbm>>
      tpu.wait_indirect_dma semaphore(%arg13 : memref<!tpu.dma_semaphore, #tpu.memory_space<semaphore_mem>>) src(%dma_wait3A_75 : memref<10000x128xf32, #tpu.memory_space<hbm>>) dst(%arg10 : memref<80x128xf32, #tpu.memory_space<vmem>>)
      %dma_start3A_76 = tpu.memref_slice %arg8[%mul3A_71] : memref<10000xi32, #tpu.memory_space<vmem>> -> memref<80xi32, #tpu.memory_space<vmem>>
      %dma_start3A_77 = arith.constant 0 : i32
      %dma_start3A_78 = arith.constant 0 : i32
      %dma_start3A_79 = tpu.memref_slice %arg3[%dma_start3A_77, %dma_start3A_78] : memref<10000x128xf32, #tpu.memory_space<hbm>> -> memref<10000x128xf32, #tpu.memory_space<hbm>>
      tpu.enqueue_indirect_dma source(%dma_start3A_79 : memref<10000x128xf32, #tpu.memory_space<hbm>>) target(%arg10 : memref<80x128xf32, #tpu.memory_space<vmem>>) offsets(%dma_start3A_76 : memref<80xi32, #tpu.memory_space<vmem>>) semaphore(%arg14 : memref<!tpu.dma_semaphore, #tpu.memory_space<semaphore_mem>>) {add = true}
      %dma_wait3A_80 = tpu.memref_slice %arg8[%mul3A_71] : memref<10000xi32, #tpu.memory_space<vmem>> -> memref<80xi32, #tpu.memory_space<vmem>>
      %dma_wait3A_81 = arith.constant 0 : i32
      %dma_wait3A_82 = arith.constant 0 : i32
      %dma_wait3A_83 = tpu.memref_slice %arg3[%dma_wait3A_81, %dma_wait3A_82] : memref<10000x128xf32, #tpu.memory_space<hbm>> -> memref<10000x128xf32, #tpu.memory_space<hbm>>
      tpu.wait_indirect_dma semaphore(%arg14 : memref<!tpu.dma_semaphore, #tpu.memory_space<semaphore_mem>>) src(%dma_wait3A_83 : memref<10000x128xf32, #tpu.memory_space<hbm>>) dst(%arg10 : memref<80x128xf32, #tpu.memory_space<vmem>>)
      %add3A_84 = arith.addi %mul3A_2, %mul3A_71 : i32
      "tpu.region"() ({
        %run_scoped3A = tpu.sem_alloc : memref<!tpu.dma_semaphore, #tpu.memory_space<semaphore_mem>>
        %dma_start3A_85 = arith.constant 0 : i32
        %dma_start3A_86 = tpu.memref_slice %arg6[%add3A_84, %dma_start3A_85] : memref<320000x128xf32, #tpu.memory_space<hbm>> -> memref<80x128xf32, #tpu.memory_space<hbm>>
        %dma_start3A_87 = arith.constant 0 : i32
        %dma_start3A_88 = tpu.memref_slice %arg6[%add3A_84, %dma_start3A_87] : memref<320000x128xf32, #tpu.memory_space<hbm>> -> memref<80x128xf32, #tpu.memory_space<hbm>>
        tpu.enqueue_dma source(%arg10 : memref<80x128xf32, #tpu.memory_space<vmem>>) target(%dma_start3A_88 : memref<80x128xf32, #tpu.memory_space<hbm>>) target_semaphore(%run_scoped3A : memref<!tpu.dma_semaphore, #tpu.memory_space<semaphore_mem>>)
        %dma_wait3A_89 = arith.constant 0 : i32
        %dma_wait3A_90 = tpu.memref_slice %arg6[%add3A_84, %dma_wait3A_89] : memref<320000x128xf32, #tpu.memory_space<hbm>> -> memref<80x128xf32, #tpu.memory_space<hbm>>
        %dma_wait3A_91 = arith.constant 0 : i32
        %dma_wait3A_92 = tpu.memref_slice %arg6[%add3A_84, %dma_wait3A_91] : memref<320000x128xf32, #tpu.memory_space<hbm>> -> memref<80x128xf32, #tpu.memory_space<hbm>>
        tpu.wait_dma2 semaphore(%run_scoped3A : memref<!tpu.dma_semaphore, #tpu.memory_space<semaphore_mem>>) src(%arg10 : memref<80x128xf32, #tpu.memory_space<vmem>>) dst(%dma_wait3A_92 : memref<80x128xf32, #tpu.memory_space<hbm>>)
        tpu.yield
      }) : () -> ()
    }
    %scan3A_11 = arith.constant 62 : i32
    %dma_wait3A = arith.constant 9920 : i32
    %dma_wait3A_12 = tpu.memref_slice %arg7[%dma_wait3A] : memref<10000xi32, #tpu.memory_space<vmem>> -> memref<80xi32, #tpu.memory_space<vmem>>
    %dma_wait3A_13 = arith.constant 0 : i32
    %dma_wait3A_14 = arith.constant 0 : i32
    %dma_wait3A_15 = tpu.memref_slice %arg2[%dma_wait3A_13, %dma_wait3A_14] : memref<10000x128xf32, #tpu.memory_space<hbm>> -> memref<10000x128xf32, #tpu.memory_space<hbm>>
    tpu.wait_indirect_dma semaphore(%arg11 : memref<!tpu.dma_semaphore, #tpu.memory_space<semaphore_mem>>) src(%dma_wait3A_15 : memref<10000x128xf32, #tpu.memory_space<hbm>>) dst(%arg9 : memref<80x128xf32, #tpu.memory_space<vmem>>)
    %dma_start3A_16 = arith.constant 9920 : i32
    %dma_start3A_17 = tpu.memref_slice %arg8[%dma_start3A_16] : memref<10000xi32, #tpu.memory_space<vmem>> -> memref<80xi32, #tpu.memory_space<vmem>>
    %dma_start3A_18 = arith.constant 0 : i32
    %dma_start3A_19 = arith.constant 0 : i32
    %dma_start3A_20 = tpu.memref_slice %arg3[%dma_start3A_18, %dma_start3A_19] : memref<10000x128xf32, #tpu.memory_space<hbm>> -> memref<10000x128xf32, #tpu.memory_space<hbm>>
    tpu.enqueue_indirect_dma source(%dma_start3A_20 : memref<10000x128xf32, #tpu.memory_space<hbm>>) target(%arg9 : memref<80x128xf32, #tpu.memory_space<vmem>>) offsets(%dma_start3A_17 : memref<80xi32, #tpu.memory_space<vmem>>) semaphore(%arg12 : memref<!tpu.dma_semaphore, #tpu.memory_space<semaphore_mem>>) {add = true}
    %dma_wait3A_21 = arith.constant 9920 : i32
    %dma_wait3A_22 = tpu.memref_slice %arg8[%dma_wait3A_21] : memref<10000xi32, #tpu.memory_space<vmem>> -> memref<80xi32, #tpu.memory_space<vmem>>
    %dma_wait3A_23 = arith.constant 0 : i32
    %dma_wait3A_24 = arith.constant 0 : i32
    %dma_wait3A_25 = tpu.memref_slice %arg3[%dma_wait3A_23, %dma_wait3A_24] : memref<10000x128xf32, #tpu.memory_space<hbm>> -> memref<10000x128xf32, #tpu.memory_space<hbm>>
    tpu.wait_indirect_dma semaphore(%arg12 : memref<!tpu.dma_semaphore, #tpu.memory_space<semaphore_mem>>) src(%dma_wait3A_25 : memref<10000x128xf32, #tpu.memory_space<hbm>>) dst(%arg9 : memref<80x128xf32, #tpu.memory_space<vmem>>)
    %add3A_26 = arith.constant 9920 : i32
    %add3A_27 = arith.addi %mul3A_2, %add3A_26 : i32
    "tpu.region"() ({
      %run_scoped3A = tpu.sem_alloc : memref<!tpu.dma_semaphore, #tpu.memory_space<semaphore_mem>>
      %dma_start3A_28 = arith.constant 0 : i32
      %dma_start3A_29 = tpu.memref_slice %arg6[%add3A_27, %dma_start3A_28] : memref<320000x128xf32, #tpu.memory_space<hbm>> -> memref<80x128xf32, #tpu.memory_space<hbm>>
      %dma_start3A_30 = arith.constant 0 : i32
      %dma_start3A_31 = tpu.memref_slice %arg6[%add3A_27, %dma_start3A_30] : memref<320000x128xf32, #tpu.memory_space<hbm>> -> memref<80x128xf32, #tpu.memory_space<hbm>>
      tpu.enqueue_dma source(%arg9 : memref<80x128xf32, #tpu.memory_space<vmem>>) target(%dma_start3A_31 : memref<80x128xf32, #tpu.memory_space<hbm>>) target_semaphore(%run_scoped3A : memref<!tpu.dma_semaphore, #tpu.memory_space<semaphore_mem>>)
      %dma_wait3A_32 = arith.constant 0 : i32
      %dma_wait3A_33 = tpu.memref_slice %arg6[%add3A_27, %dma_wait3A_32] : memref<320000x128xf32, #tpu.memory_space<hbm>> -> memref<80x128xf32, #tpu.memory_space<hbm>>
      %dma_wait3A_34 = arith.constant 0 : i32
      %dma_wait3A_35 = tpu.memref_slice %arg6[%add3A_27, %dma_wait3A_34] : memref<320000x128xf32, #tpu.memory_space<hbm>> -> memref<80x128xf32, #tpu.memory_space<hbm>>
      tpu.wait_dma2 semaphore(%run_scoped3A : memref<!tpu.dma_semaphore, #tpu.memory_space<semaphore_mem>>) src(%arg9 : memref<80x128xf32, #tpu.memory_space<vmem>>) dst(%dma_wait3A_35 : memref<80x128xf32, #tpu.memory_space<hbm>>)
      tpu.yield
    }) : () -> ()
    return
  }
}

module attributes {stable_mosaic.version = 14 : i64} {
  func.func @_proj_body(%arg0: i32, %arg1: memref<2000x128xf32, #tpu.memory_space<vmem>>, %arg2: memref<128x128xf32, #tpu.memory_space<vmem>>, %arg3: memref<128x128xf32, #tpu.memory_space<vmem>>, %arg4: memref<1x128xf32, #tpu.memory_space<vmem>>, %arg5: memref<2000x128xf32, #tpu.memory_space<vmem>>, %arg6: memref<2000x128xf32, #tpu.memory_space<vmem>>) attributes {dimension_semantics = [#tpu.dimension_semantics<arbitrary>], iteration_bounds = array<i64: 5>, scalar_prefetch = 0 : i64, scratch_operands = 0 : i64, tpu.core_type = #tpu.core_type<tc>, window_params = [{transform_indices = @transform_0, window_bounds = array<i64: 2000, 128>}, {pipeline_mode = #tpu.pipeline_mode<synchronous>, transform_indices = @transform_1, window_bounds = array<i64: 128, 128>}, {pipeline_mode = #tpu.pipeline_mode<synchronous>, transform_indices = @transform_2, window_bounds = array<i64: 128, 128>}, {pipeline_mode = #tpu.pipeline_mode<synchronous>, transform_indices = @transform_3, window_bounds = array<i64: 1, 128>}, {transform_indices = @transform_4, window_bounds = array<i64: 2000, 128>}, {transform_indices = @transform_5, window_bounds = array<i64: 2000, 128>}]} {
    %get3A = arith.constant 0 : index
    %get3A_0 = arith.constant 0 : index
    %get3A_1 = vector.load %arg1[%get3A, %get3A_0] : memref<2000x128xf32, #tpu.memory_space<vmem>>, vector<2000x128xf32>
    %get3A_2 = arith.constant 0 : index
    %get3A_3 = arith.constant 0 : index
    %get3A_4 = vector.load %arg2[%get3A_2, %get3A_3] : memref<128x128xf32, #tpu.memory_space<vmem>>, vector<128x128xf32>
    %dot_general3A = arith.constant dense<0.000000e+00> : vector<2000x128xf32>
    %dot_general3A_5 = tpu.matmul %get3A_1, %get3A_4, %dot_general3A {dimension_numbers = #tpu.dot_dimension_numbers<[1], [0], [0], [1], [0, 0, 1, 1], [], []>, transpose_lhs_hint = false} : vector<2000x128xf32>, vector<128x128xf32>, vector<2000x128xf32> -> vector<2000x128xf32>
    %swap3A = arith.constant 0 : index
    %swap3A_6 = arith.constant 0 : index
    %swap3A_7 = vector.load %arg5[%swap3A, %swap3A_6] : memref<2000x128xf32, #tpu.memory_space<vmem>>, vector<2000x128xf32>
    tpu.vector_store %arg5[%swap3A, %swap3A_6], %dot_general3A_5 {strides = array<i32>} : memref<2000x128xf32, #tpu.memory_space<vmem>>, vector<2000x128xf32>,
    %get3A_8 = arith.constant 0 : index
    %get3A_9 = arith.constant 0 : index
    %get3A_10 = vector.load %arg3[%get3A_8, %get3A_9] : memref<128x128xf32, #tpu.memory_space<vmem>>, vector<128x128xf32>
    %dot_general3A_11 = arith.constant dense<0.000000e+00> : vector<2000x128xf32>
    %dot_general3A_12 = tpu.matmul %get3A_1, %get3A_10, %dot_general3A_11 {dimension_numbers = #tpu.dot_dimension_numbers<[1], [0], [0], [1], [0, 0, 1, 1], [], []>, transpose_lhs_hint = false} : vector<2000x128xf32>, vector<128x128xf32>, vector<2000x128xf32> -> vector<2000x128xf32>
    %get3A_13 = arith.constant 0 : index
    %get3A_14 = arith.constant 0 : index
    %get3A_15 = vector.load %arg4[%get3A_13, %get3A_14] : memref<1x128xf32, #tpu.memory_space<vmem>>, vector<1x128xf32>
    %add3A = vector.broadcast %get3A_15 : vector<1x128xf32> to vector<2000x128xf32>
    %add3A_16 = arith.addf %dot_general3A_12, %add3A : vector<2000x128xf32>
    %swap3A_17 = arith.constant 0 : index
    %swap3A_18 = arith.constant 0 : index
    %swap3A_19 = vector.load %arg6[%swap3A_17, %swap3A_18] : memref<2000x128xf32, #tpu.memory_space<vmem>>, vector<2000x128xf32>
    tpu.vector_store %arg6[%swap3A_17, %swap3A_18], %add3A_16 {strides = array<i32>} : memref<2000x128xf32, #tpu.memory_space<vmem>>, vector<2000x128xf32>,
    return
  }
  func.func @transform_0(%arg0: i32) -> (i32, i32) {
    %c0_i32 = arith.constant 0 : i32
    %c0_i32_0 = arith.constant 0 : i32
    return %arg0, %c0_i32 : i32, i32
  }
  func.func @transform_1(%arg0: i32) -> (i32, i32) {
    %c0_i32 = arith.constant 0 : i32
    %c0_i32_0 = arith.constant 0 : i32
    %c0_i32_1 = arith.constant 0 : i32
    return %c0_i32, %c0_i32_0 : i32, i32
  }
  func.func @transform_2(%arg0: i32) -> (i32, i32) {
    %c0_i32 = arith.constant 0 : i32
    %c0_i32_0 = arith.constant 0 : i32
    %c0_i32_1 = arith.constant 0 : i32
    return %c0_i32, %c0_i32_0 : i32, i32
  }
  func.func @transform_3(%arg0: i32) -> (i32, i32) {
    %c0_i32 = arith.constant 0 : i32
    %c0_i32_0 = arith.constant 0 : i32
    %c0_i32_1 = arith.constant 0 : i32
    return %c0_i32, %c0_i32_0 : i32, i32
  }
  func.func @transform_4(%arg0: i32) -> (i32, i32) {
    %c0_i32 = arith.constant 0 : i32
    %c0_i32_0 = arith.constant 0 : i32
    return %arg0, %c0_i32 : i32, i32
  }
  func.func @transform_5(%arg0: i32) -> (i32, i32) {
    %c0_i32 = arith.constant 0 : i32
    %c0_i32_0 = arith.constant 0 : i32
    return %arg0, %c0_i32 : i32, i32
  }
}

module attributes {stable_mosaic.version = 14 : i64} {
  func.func @_mlp_body(%arg0: i32, %arg1: memref<3200x128xf32, #tpu.memory_space<vmem>>, %arg2: memref<3200x1xf32, #tpu.memory_space<vmem>>, %arg3: memref<3200x3xf32, #tpu.memory_space<vmem>>, %arg4: memref<3200x1xi32, #tpu.memory_space<vmem>>, %arg5: memref<1x3200xi32, #tpu.memory_space<vmem>>, %arg6: memref<128x128xbf16, #tpu.memory_space<vmem>>, %arg7: memref<1x128xf32, #tpu.memory_space<vmem>>, %arg8: memref<1x128xf32, #tpu.memory_space<vmem>>, %arg9: memref<1x128xf32, #tpu.memory_space<vmem>>, %arg10: memref<3x80x128xf32, #tpu.memory_space<vmem>>, %arg11: memref<3x80x128xf32, #tpu.memory_space<vmem>>) attributes {dimension_semantics = [#tpu.dimension_semantics<arbitrary>], iteration_bounds = array<i64: 100>, scalar_prefetch = 0 : i64, scratch_operands = 0 : i64, tpu.core_type = #tpu.core_type<tc>, window_params = [{transform_indices = @transform_0, window_bounds = array<i64: 3200, 128>}, {transform_indices = @transform_1, window_bounds = array<i64: 3200, 1>}, {transform_indices = @transform_2, window_bounds = array<i64: 3200, 3>}, {transform_indices = @transform_3, window_bounds = array<i64: 3200, 1>}, {transform_indices = @transform_4, window_bounds = array<i64: 1, 3200>}, {pipeline_mode = #tpu.pipeline_mode<synchronous>, transform_indices = @transform_5, window_bounds = array<i64: 128, 128>}, {pipeline_mode = #tpu.pipeline_mode<synchronous>, transform_indices = @transform_6, window_bounds = array<i64: 1, 128>}, {pipeline_mode = #tpu.pipeline_mode<synchronous>, transform_indices = @transform_7, window_bounds = array<i64: 1, 128>}, {pipeline_mode = #tpu.pipeline_mode<synchronous>, transform_indices = @transform_8, window_bounds = array<i64: 1, 128>}, {pipeline_mode = #tpu.pipeline_mode<synchronous>, transform_indices = @transform_9, window_bounds = array<i64: 3, 80, 128>}, {pipeline_mode = #tpu.pipeline_mode<synchronous>, transform_indices = @transform_10, window_bounds = array<i64: 3, 80, 128>}]} {
    %get3A = arith.constant 0 : index
    %get3A_0 = arith.constant 0 : index
    %get3A_1 = vector.load %arg1[%get3A, %get3A_0] : memref<3200x128xf32, #tpu.memory_space<vmem>>, vector<3200x128xf32>
    %get3A_2 = arith.constant 0 : index
    %get3A_3 = arith.constant 0 : index
    %get3A_4 = vector.load %arg2[%get3A_2, %get3A_3] : memref<3200x1xf32, #tpu.memory_space<vmem>>, vector<3200x1xf32>
    %get3A_5 = arith.constant 0 : index
    %get3A_6 = arith.constant 0 : index
    %get3A_7 = vector.load %arg8[%get3A_5, %get3A_6] : memref<1x128xf32, #tpu.memory_space<vmem>>, vector<1x128xf32>
    %mul3A = vector.broadcast %get3A_4 : vector<3200x1xf32> to vector<3200x128xf32>
    %mul3A_8 = vector.broadcast %get3A_7 : vector<1x128xf32> to vector<3200x128xf32>
    %mul3A_9 = arith.mulf %mul3A, %mul3A_8 : vector<3200x128xf32>
    %add3A = arith.addf %get3A_1, %mul3A_9 : vector<3200x128xf32>
    %logistic3A = arith.negf %add3A : vector<3200x128xf32>
    %logistic3A_10 = math.exp %logistic3A : vector<3200x128xf32>
    %logistic3A_11 = arith.constant 1.000000e+00 : f32
    %logistic3A_12 = vector.broadcast %logistic3A_11 : f32 to vector<3200x128xf32>
    %logistic3A_13 = arith.addf %logistic3A_12, %logistic3A_10 : vector<3200x128xf32>
    %logistic3A_14 = arith.divf %logistic3A_12, %logistic3A_13 : vector<3200x128xf32>
    %mul3A_15 = arith.mulf %add3A, %logistic3A_14 : vector<3200x128xf32>
    %convert_element_type3A = arith.truncf %mul3A_15 : vector<3200x128xf32> to vector<3200x128xbf16>
    %get3A_16 = arith.constant 0 : index
    %get3A_17 = arith.constant 0 : index
    %get3A_18 = vector.load %arg6[%get3A_16, %get3A_17] : memref<128x128xbf16, #tpu.memory_space<vmem>>, vector<128x128xbf16>
    %dot_general3A = arith.constant dense<0.000000e+00> : vector<3200x128xf32>
    %dot_general3A_19 = tpu.matmul %convert_element_type3A, %get3A_18, %dot_general3A {dimension_numbers = #tpu.dot_dimension_numbers<[1], [0], [0], [1], [0, 0, 1, 1], [], []>, transpose_lhs_hint = false} : vector<3200x128xbf16>, vector<128x128xbf16>, vector<3200x128xf32> -> vector<3200x128xf32>
    %get3A_20 = arith.constant 0 : index
    %get3A_21 = arith.constant 0 : index
    %get3A_22 = vector.load %arg7[%get3A_20, %get3A_21] : memref<1x128xf32, #tpu.memory_space<vmem>>, vector<1x128xf32>
    %add3A_23 = vector.broadcast %get3A_22 : vector<1x128xf32> to vector<3200x128xf32>
    %add3A_24 = arith.addf %dot_general3A_19, %add3A_23 : vector<3200x128xf32>
    %logistic3A_25 = arith.negf %add3A_24 : vector<3200x128xf32>
    %logistic3A_26 = math.exp %logistic3A_25 : vector<3200x128xf32>
    %logistic3A_27 = arith.constant 1.000000e+00 : f32
    %logistic3A_28 = vector.broadcast %logistic3A_27 : f32 to vector<3200x128xf32>
    %logistic3A_29 = arith.addf %logistic3A_28, %logistic3A_26 : vector<3200x128xf32>
    %logistic3A_30 = arith.divf %logistic3A_28, %logistic3A_29 : vector<3200x128xf32>
    %mul3A_31 = arith.mulf %add3A_24, %logistic3A_30 : vector<3200x128xf32>
    %get3A_32 = arith.constant 0 : index
    %get3A_33 = arith.constant 0 : index
    %get3A_34 = vector.load %arg9[%get3A_32, %get3A_33] : memref<1x128xf32, #tpu.memory_space<vmem>>, vector<1x128xf32>
    %mul3A_35 = vector.broadcast %get3A_34 : vector<1x128xf32> to vector<3200x128xf32>
    %mul3A_36 = arith.mulf %mul3A_31, %mul3A_35 : vector<3200x128xf32>
    %reduce_sum3A = arith.constant dense<0.000000e+00> : vector<3200xf32>
    %reduce_sum3A_37 = vector.multi_reduction <add>, %mul3A_36, %reduce_sum3A [1] : vector<3200x128xf32> to vector<3200xf32>
    %broadcast_in_dim3A = vector.shape_cast %reduce_sum3A_37 : vector<3200xf32> to vector<3200x1xf32>
    %get3A_38 = arith.constant 0 : index
    %get3A_39 = arith.constant 0 : index
    %get3A_40 = vector.load %arg4[%get3A_38, %get3A_39] : memref<3200x1xi32, #tpu.memory_space<vmem>>, vector<3200x1xi32>
    %and3A = arith.constant 127 : i32
    %and3A_41 = vector.broadcast %and3A : i32 to vector<3200x1xi32>
    %and3A_42 = arith.andi %get3A_40, %and3A_41 : vector<3200x1xi32>
    %iota3A = tpu.iota {dimensions = array<i32: 1>} : vector<3200x128xi32>
    %eq3A = vector.broadcast %and3A_42 : vector<3200x1xi32> to vector<3200x128xi32>
    %eq3A_43 = arith.cmpi eq, %iota3A, %eq3A : vector<3200x128xi32>
    %jit3A = arith.constant 1.000000e+00 : f32
    %jit3A_44 = arith.constant 0.000000e+00 : f32
    %broadcast_in_dim3A_45 = vector.broadcast %jit3A : f32 to vector<3200x128xf32>
    %broadcast_in_dim3A_46 = vector.broadcast %jit3A_44 : f32 to vector<3200x128xf32>
    %select_n3A = arith.select %eq3A_43, %broadcast_in_dim3A_45, %broadcast_in_dim3A_46 : vector<3200x128xi1>, vector<3200x128xf32>
    %get3A_47 = arith.constant 0 : index
    %get3A_48 = arith.constant 0 : index
    %get3A_49 = vector.load %arg5[%get3A_47, %get3A_48] : memref<1x3200xi32, #tpu.memory_space<vmem>>, vector<1x3200xi32>
    %shift_right_logical3A = arith.constant 7 : i32
    %shift_right_logical3A_50 = vector.broadcast %shift_right_logical3A : i32 to vector<1x3200xi32>
    %shift_right_logical3A_51 = arith.shrui %get3A_49, %shift_right_logical3A_50 : vector<1x3200xi32>
    %iota3A_52 = tpu.iota {dimensions = array<i32: 0>} : vector<80x3200xi32>
    %eq3A_53 = vector.broadcast %shift_right_logical3A_51 : vector<1x3200xi32> to vector<80x3200xi32>
    %eq3A_54 = arith.cmpi eq, %iota3A_52, %eq3A_53 : vector<80x3200xi32>
    %jit3A_55 = arith.constant 1.000000e+00 : f32
    %jit3A_56 = arith.constant 0.000000e+00 : f32
    %broadcast_in_dim3A_57 = vector.broadcast %jit3A_55 : f32 to vector<80x3200xf32>
    %broadcast_in_dim3A_58 = vector.broadcast %jit3A_56 : f32 to vector<80x3200xf32>
    %select_n3A_59 = arith.select %eq3A_54, %broadcast_in_dim3A_57, %broadcast_in_dim3A_58 : vector<80x3200xi1>, vector<80x3200xf32>
    %convert_element_type3A_60 = arith.truncf %select_n3A_59 : vector<80x3200xf32> to vector<80x3200xbf16>
    %eq3A_61 = arith.constant 0 : i32
    %eq3A_62 = arith.cmpi eq, %arg0, %eq3A_61 : i32
    %convert_element_type3A_63 = arith.extui %eq3A_62 : i1 to i32
    %cond3A = arith.constant 0 : i32
    %cond3A_64 = arith.cmpi ne, %convert_element_type3A_63, %cond3A : i32
    scf.if %cond3A_64 {
      %get3A_127 = arith.constant 0 : index
      %get3A_128 = arith.constant 0 : index
      %get3A_129 = arith.constant 0 : index
      %get3A_130 = vector.load %arg10[%get3A_127, %get3A_128, %get3A_129] : memref<3x80x128xf32, #tpu.memory_space<vmem>>, vector<3x80x128xf32>
      %mul3A_131 = arith.constant 1.000000e+02 : f32
      %mul3A_132 = vector.broadcast %mul3A_131 : f32 to vector<3x80x128xf32>
      %mul3A_133 = arith.mulf %get3A_130, %mul3A_132 : vector<3x80x128xf32>
      %swap3A_134 = arith.constant 0 : index
      %swap3A_135 = arith.constant 0 : index
      %swap3A_136 = arith.constant 0 : index
      %swap3A_137 = vector.load %arg11[%swap3A_134, %swap3A_135, %swap3A_136] : memref<3x80x128xf32, #tpu.memory_space<vmem>>, vector<3x80x128xf32>
      tpu.vector_store %arg11[%swap3A_134, %swap3A_135, %swap3A_136], %mul3A_133 {strides = array<i32>} : memref<3x80x128xf32, #tpu.memory_space<vmem>>, vector<3x80x128xf32>,
    } else {
    }
    %get3A_65 = arith.constant 0 : index
    %get3A_66 = arith.constant 0 : index
    %get3A_67 = vector.load %arg3[%get3A_65, %get3A_66] : memref<3200x3xf32, #tpu.memory_space<vmem>>, vector<3200x3xf32>
    %mul3A_68 = vector.broadcast %broadcast_in_dim3A : vector<3200x1xf32> to vector<3200x3xf32>
    %mul3A_69 = arith.mulf %get3A_67, %mul3A_68 : vector<3200x3xf32>
    %slice3A = vector.extract_strided_slice %mul3A_69 {offsets = [0, 0], sizes = [3200, 1], strides = [1, 1]} : vector<3200x3xf32> to vector<3200x1xf32>
    %mul3A_70 = vector.broadcast %slice3A : vector<3200x1xf32> to vector<3200x128xf32>
    %mul3A_71 = arith.mulf %select_n3A, %mul3A_70 : vector<3200x128xf32>
    %convert_element_type3A_72 = arith.truncf %mul3A_71 : vector<3200x128xf32> to vector<3200x128xbf16>
    %get3A_73 = arith.constant 0 : index
    %get3A_74 = arith.constant 0 : index
    %get3A_75 = arith.constant 0 : index
    %get3A_76 = vector.load %arg11[%get3A_73, %get3A_74, %get3A_75] : memref<3x80x128xf32, #tpu.memory_space<vmem>>, vector<1x80x128xf32>
    %get3A_77 = vector.shape_cast %get3A_76 : vector<1x80x128xf32> to vector<80x128xf32>
    %dot_general3A_78 = arith.constant dense<0.000000e+00> : vector<80x128xf32>
    %dot_general3A_79 = tpu.matmul %convert_element_type3A_60, %convert_element_type3A_72, %dot_general3A_78 {dimension_numbers = #tpu.dot_dimension_numbers<[1], [0], [0], [1], [0, 0, 1, 1], [], []>, transpose_lhs_hint = false} : vector<80x3200xbf16>, vector<3200x128xbf16>, vector<80x128xf32> -> vector<80x128xf32>
    %add3A_80 = arith.addf %get3A_77, %dot_general3A_79 : vector<80x128xf32>
    %swap3A = arith.constant 0 : index
    %swap3A_81 = arith.constant 0 : index
    %swap3A_82 = arith.constant 0 : index
    %swap3A_83 = vector.load %arg11[%swap3A, %swap3A_81, %swap3A_82] : memref<3x80x128xf32, #tpu.memory_space<vmem>>, vector<1x80x128xf32>
    %swap3A_84 = vector.shape_cast %swap3A_83 : vector<1x80x128xf32> to vector<80x128xf32>
    %swap3A_85 = vector.shape_cast %add3A_80 : vector<80x128xf32> to vector<1x80x128xf32>
    tpu.vector_store %arg11[%swap3A, %swap3A_81, %swap3A_82], %swap3A_85 {strides = array<i32>} : memref<3x80x128xf32, #tpu.memory_space<vmem>>, vector<1x80x128xf32>,
    %slice3A_86 = vector.extract_strided_slice %mul3A_69 {offsets = [0, 1], sizes = [3200, 1], strides = [1, 1]} : vector<3200x3xf32> to vector<3200x1xf32>
    %mul3A_87 = vector.broadcast %slice3A_86 : vector<3200x1xf32> to vector<3200x128xf32>
    %mul3A_88 = arith.mulf %select_n3A, %mul3A_87 : vector<3200x128xf32>
    %convert_element_type3A_89 = arith.truncf %mul3A_88 : vector<3200x128xf32> to vector<3200x128xbf16>
    %get3A_90 = arith.constant 1 : index
    %get3A_91 = arith.constant 0 : index
    %get3A_92 = arith.constant 0 : index
    %get3A_93 = vector.load %arg11[%get3A_90, %get3A_91, %get3A_92] : memref<3x80x128xf32, #tpu.memory_space<vmem>>, vector<1x80x128xf32>
    %get3A_94 = vector.shape_cast %get3A_93 : vector<1x80x128xf32> to vector<80x128xf32>
    %dot_general3A_95 = arith.constant dense<0.000000e+00> : vector<80x128xf32>
    %dot_general3A_96 = tpu.matmul %convert_element_type3A_60, %convert_element_type3A_89, %dot_general3A_95 {dimension_numbers = #tpu.dot_dimension_numbers<[1], [0], [0], [1], [0, 0, 1, 1], [], []>, transpose_lhs_hint = false} : vector<80x3200xbf16>, vector<3200x128xbf16>, vector<80x128xf32> -> vector<80x128xf32>
    %add3A_97 = arith.addf %get3A_94, %dot_general3A_96 : vector<80x128xf32>
    %swap3A_98 = arith.constant 1 : index
    %swap3A_99 = arith.constant 0 : index
    %swap3A_100 = arith.constant 0 : index
    %swap3A_101 = vector.load %arg11[%swap3A_98, %swap3A_99, %swap3A_100] : memref<3x80x128xf32, #tpu.memory_space<vmem>>, vector<1x80x128xf32>
    %swap3A_102 = vector.shape_cast %swap3A_101 : vector<1x80x128xf32> to vector<80x128xf32>
    %swap3A_103 = vector.shape_cast %add3A_97 : vector<80x128xf32> to vector<1x80x128xf32>
    tpu.vector_store %arg11[%swap3A_98, %swap3A_99, %swap3A_100], %swap3A_103 {strides = array<i32>} : memref<3x80x128xf32, #tpu.memory_space<vmem>>, vector<1x80x128xf32>,
    %slice3A_104 = vector.extract_strided_slice %mul3A_69 {offsets = [0, 2], sizes = [3200, 1], strides = [1, 1]} : vector<3200x3xf32> to vector<3200x1xf32>
    %mul3A_105 = vector.broadcast %slice3A_104 : vector<3200x1xf32> to vector<3200x128xf32>
    %mul3A_106 = arith.mulf %select_n3A, %mul3A_105 : vector<3200x128xf32>
    %convert_element_type3A_107 = arith.truncf %mul3A_106 : vector<3200x128xf32> to vector<3200x128xbf16>
    %get3A_108 = arith.constant 2 : index
    %get3A_109 = arith.constant 0 : index
    %get3A_110 = arith.constant 0 : index
    %get3A_111 = vector.load %arg11[%get3A_108, %get3A_109, %get3A_110] : memref<3x80x128xf32, #tpu.memory_space<vmem>>, vector<1x80x128xf32>
    %get3A_112 = vector.shape_cast %get3A_111 : vector<1x80x128xf32> to vector<80x128xf32>
    %dot_general3A_113 = arith.constant dense<0.000000e+00> : vector<80x128xf32>
    %dot_general3A_114 = tpu.matmul %convert_element_type3A_60, %convert_element_type3A_107, %dot_general3A_113 {dimension_numbers = #tpu.dot_dimension_numbers<[1], [0], [0], [1], [0, 0, 1, 1], [], []>, transpose_lhs_hint = false} : vector<80x3200xbf16>, vector<3200x128xbf16>, vector<80x128xf32> -> vector<80x128xf32>
    %add3A_115 = arith.addf %get3A_112, %dot_general3A_114 : vector<80x128xf32>
    %swap3A_116 = arith.constant 2 : index
    %swap3A_117 = arith.constant 0 : index
    %swap3A_118 = arith.constant 0 : index
    %swap3A_119 = vector.load %arg11[%swap3A_116, %swap3A_117, %swap3A_118] : memref<3x80x128xf32, #tpu.memory_space<vmem>>, vector<1x80x128xf32>
    %swap3A_120 = vector.shape_cast %swap3A_119 : vector<1x80x128xf32> to vector<80x128xf32>
    %swap3A_121 = vector.shape_cast %add3A_115 : vector<80x128xf32> to vector<1x80x128xf32>
    tpu.vector_store %arg11[%swap3A_116, %swap3A_117, %swap3A_118], %swap3A_121 {strides = array<i32>} : memref<3x80x128xf32, #tpu.memory_space<vmem>>, vector<1x80x128xf32>,
    %eq3A_122 = arith.constant 99 : i32
    %eq3A_123 = arith.cmpi eq, %arg0, %eq3A_122 : i32
    %convert_element_type3A_124 = arith.extui %eq3A_123 : i1 to i32
    %cond3A_125 = arith.constant 0 : i32
    %cond3A_126 = arith.cmpi ne, %convert_element_type3A_124, %cond3A_125 : i32
    scf.if %cond3A_126 {
      %get3A_127 = arith.constant 0 : index
      %get3A_128 = arith.constant 0 : index
      %get3A_129 = arith.constant 0 : index
      %get3A_130 = vector.load %arg11[%get3A_127, %get3A_128, %get3A_129] : memref<3x80x128xf32, #tpu.memory_space<vmem>>, vector<3x80x128xf32>
      %mul3A_131 = arith.constant 0.00999999977 : f32
      %mul3A_132 = vector.broadcast %mul3A_131 : f32 to vector<3x80x128xf32>
      %mul3A_133 = arith.mulf %get3A_130, %mul3A_132 : vector<3x80x128xf32>
      %swap3A_134 = arith.constant 0 : index
      %swap3A_135 = arith.constant 0 : index
      %swap3A_136 = arith.constant 0 : index
      %swap3A_137 = vector.load %arg11[%swap3A_134, %swap3A_135, %swap3A_136] : memref<3x80x128xf32, #tpu.memory_space<vmem>>, vector<3x80x128xf32>
      tpu.vector_store %arg11[%swap3A_134, %swap3A_135, %swap3A_136], %mul3A_133 {strides = array<i32>} : memref<3x80x128xf32, #tpu.memory_space<vmem>>, vector<3x80x128xf32>,
    } else {
    }
    return
  }
  func.func @transform_0(%arg0: i32) -> (i32, i32) {
    %c0_i32 = arith.constant 0 : i32
    %c0_i32_0 = arith.constant 0 : i32
    return %arg0, %c0_i32 : i32, i32
  }
  func.func @transform_1(%arg0: i32) -> (i32, i32) {
    %c0_i32 = arith.constant 0 : i32
    %c0_i32_0 = arith.constant 0 : i32
    return %arg0, %c0_i32 : i32, i32
  }
  func.func @transform_2(%arg0: i32) -> (i32, i32) {
    %c0_i32 = arith.constant 0 : i32
    %c0_i32_0 = arith.constant 0 : i32
    return %arg0, %c0_i32 : i32, i32
  }
  func.func @transform_3(%arg0: i32) -> (i32, i32) {
    %c0_i32 = arith.constant 0 : i32
    %c0_i32_0 = arith.constant 0 : i32
    return %arg0, %c0_i32 : i32, i32
  }
  func.func @transform_4(%arg0: i32) -> (i32, i32) {
    %c0_i32 = arith.constant 0 : i32
    %c0_i32_0 = arith.constant 0 : i32
    return %c0_i32, %arg0 : i32, i32
  }
  func.func @transform_5(%arg0: i32) -> (i32, i32) {
    %c0_i32 = arith.constant 0 : i32
    %c0_i32_0 = arith.constant 0 : i32
    %c0_i32_1 = arith.constant 0 : i32
    return %c0_i32, %c0_i32_0 : i32, i32
  }
  func.func @transform_6(%arg0: i32) -> (i32, i32) {
    %c0_i32 = arith.constant 0 : i32
    %c0_i32_0 = arith.constant 0 : i32
    %c0_i32_1 = arith.constant 0 : i32
    return %c0_i32, %c0_i32_0 : i32, i32
  }
  func.func @transform_7(%arg0: i32) -> (i32, i32) {
    %c0_i32 = arith.constant 0 : i32
    %c0_i32_0 = arith.constant 0 : i32
    %c0_i32_1 = arith.constant 0 : i32
    return %c0_i32, %c0_i32_0 : i32, i32
  }
  func.func @transform_8(%arg0: i32) -> (i32, i32) {
    %c0_i32 = arith.constant 0 : i32
    %c0_i32_0 = arith.constant 0 : i32
    %c0_i32_1 = arith.constant 0 : i32
    return %c0_i32, %c0_i32_0 : i32, i32
  }
  func.func @transform_9(%arg0: i32) -> (i32, i32, i32) {
    %c0_i32 = arith.constant 0 : i32
    %c0_i32_0 = arith.constant 0 : i32
    %c0_i32_1 = arith.constant 0 : i32
    %c0_i32_2 = arith.constant 0 : i32
    return %c0_i32, %c0_i32_0, %c0_i32_1 : i32, i32, i32
  }
  func.func @transform_10(%arg0: i32) -> (i32, i32, i32) {
    %c0_i32 = arith.constant 0 : i32
    %c0_i32_0 = arith.constant 0 : i32
    %c0_i32_1 = arith.constant 0 : i32
    %c0_i32_2 = arith.constant 0 : i32
    return %c0_i32, %c0_i32_0, %c0_i32_1 : i32, i32, i32
  }
}

</mosaic_0001>

<sc_bundles>
// kernel: kernel.5.cloned.1.call-start
scs
__scs_entry_jumppad:
0x0: {  	(pc) =	sbr.rel $0x88, $3  }
0x1: {  	(tag) =	ssettag $0x0;
	lr =	simm.s32 $0x1  }
0x2: {  	[smem:$0x3F97] =	sst lr;
	_ =	strace $0xD0000000  }
0x3: {  	_ = 	snop  }
0x4: {  	_ = 	snop  }
0x5: {  	_ = 	snop  }
0x6: {  	_ = 	snop  }
0x7: {  	_ = 	snop  }
__scs_overlays_trampoline_lowered:
0x8: {  	[smem:$0x3FA6] =	sst s0  }
0x9: {  	[smem:$0x3FA7] =	sst s1  }
0xa: {  	[smem:$0x3FA8] =	sst s2  }
0xb: {  	[smem:$0x3FA9] =	sst s3  }
0xc: {  	[smem:$0x3FAA] =	sst s4  }
0xd: {  	[smem:$0x3FAB] =	sst s5  }
0xe: {  	[smem:$0x3FAC] =	sst s6  }
0xf: {  	[smem:$0x3FAD] =	sst s7  }
0x10: {  	[smem:$0x3FAE] =	sst s8  }
0x11: {  	[smem:$0x3FAF] =	sst s9;
	s0 =	simm.s32 @!p0 $0x0  }
0x12: {  	s1 =	sld [smem:$0x3F95];
	s0 =	simm.s32 @p0 $0x1  }
0x13: {  	[smem:$0x3FB0] =	sst s0;
	s0 =	simm.s32 @!p1 $0x0  }
0x14: {  	s2 =	sld [smem:$0x3F94];
	s0 =	simm.s32 @p1 $0x1  }
0x15: {  	[smem:$0x3FB1] =	sst s0;
	s0 =	simm.s32 @!p2 $0x0  }
0x16: {  	s3 =	sld [smem:$0x3FDB];
	s0 =	simm.s32 @p2 $0x1  }
0x17: {  	s4 =	simm.s32 $0x1BF5;
	[smem:$0x3FB3] =	sst s0  }
0x18: {  	s0 =	sld [smem:$0x3F96];
	_ =	swait.ge [sflag:s4], $0x0  }
0x19: {  	s7 =	sld [smem:$0x3F97]  }
0x1a: {  	s8 =	sadd.s32 $0xFFFFE003, lr  }
0x1b: {  	s9 =	sadd.s32 $0xFFFFFEF7, lr;
	s5 =	simm.s32 $0xFFFFFFFF;
	p2 =	slt.u32 s8, $0xFFFFF086  }
0x1c: {  	p1 =	slt.u32 s9, $0xF7A;
	s5 =	simm.s32 @!p2 $0x0  }
0x1d: {  	s5 =	simm.s32 @p1 $0x1;
	p0 =	seq.s32 s7, s2  }
0x1e: {  	s7 =	smul.u32 @!p0 $0xF7A, s2;
	p2 =	seq.s32 @!p0 s5, $0x0  }
0x1f: {  	s9 =	smul.u32 $0xF7A, s1;
	s8 =	simm.s32 @!p0 $0x1BF5;
	p2 =	por !p2, p0  }
0x20: {  	[sflag:s8] =	ssyncset.s32 @!p0 $0xFFFFF086;
	s6 =	sadd.s32 @!p0 s3, s7;
	s7 =	simm.s32 @!p0 $0x108  }
0x21: {  	s3 =	sadd.s32 s3, s9;
	s6 =	sadd.s32 @!p0 $0x88, s6;
	s7 =	simm.s32 @p2 $0x1082  }
0x22: {  	[simem:s7], [sflag:s8] =	dma.local @!p0 [hbm:s6], $0xF7A  }
0x23: {  	s9 =	sor.u32 $0xD0000000, s2;
	s6 =	simm.s32 $0x108;
	_ =	swait.ge @!p0 [sflag:s8], $0x0  }
0x24: {  	s3 =	sadd.s32 $0x88, s3;
	s6 =	simm.s32 @!p1 $0x1082;
	[sflag:s4] =	ssyncset.s32 $0xFFFFF086  }
0x25: {  	[simem:s6], [sflag:s4] =	dma.local [hbm:s3], $0xF7A  }
0x26: {  	[smem:$0x3F97] =	sst s1;
	(tag) =	ssettag s2;
	_ =	strace s9  }
0x27: {  	s1 =	sld [smem:$0x3FA7]  }
0x28: {  	s2 =	sld [smem:$0x3FA8]  }
0x29: {  	s4 =	sld [smem:$0x3FAA]  }
0x2a: {  	p0 =	seq.s32 s5, $0x0;
	s5 =	sld [smem:$0x3FAB]  }
0x2b: {  	s6 =	sld [smem:$0x3FAC]  }
0x2c: {  	s7 =	sld [smem:$0x3FAD]  }
0x2d: {  	s3 =	simm.s32 $0x108;
	s8 =	sld [smem:$0x3FAE]  }
0x2e: {  	s3 =	simm.s32 @!p0 $0x1082;
	s9 =	sld [smem:$0x3FAF]  }
0x2f: {  	lr =	sadd.s32 s0, s3;
	s0 =	sld [smem:$0x3FA6]  }
0x30: {  	s3 =	sld [smem:$0x3FA9]  }
0x31: {  	[smem:$0x3FB2] =	sst s10  }
0x32: {  	s10 =	sld [smem:$0x3FB0];
	_ =	sdelay $0x3  }
0x33: {  	p0 =	seq.s32 s10, $0x1;
	s10 =	sld [smem:$0x3FB2];
	_ =	sdelay $0x3  }
0x34: {  	[smem:$0x3FB2] =	sst s10  }
0x35: {  	s10 =	sld [smem:$0x3FB1];
	_ =	sdelay $0x3  }
0x36: {  	p1 =	seq.s32 s10, $0x1;
	s10 =	sld [smem:$0x3FB2];
	_ =	sdelay $0x3  }
0x37: {  	[smem:$0x3FB2] =	sst s10  }
0x38: {  	s10 =	sld [smem:$0x3FB3]  }
0x39: {  	_ = 	snop;
	(pc) =	sbr.ind lr, $3  }
0x3a: {  	_ = 	snop  }
0x3b: {  	_ = 	snop  }
0x3c: {  	p2 =	seq.s32 s10, $0x1;
	s10 =	sld [smem:$0x3FB2]  }
0x3d: {  	_ =	shalt  }
0x3e: {  	_ =	shalt  }
0x3f: {  	_ =	shalt  }
0x40: {  	_ =	shalt  }
0x41: {  	_ =	shalt  }
0x42: {  	_ =	shalt  }
0x43: {  	_ =	shalt  }
0x44: {  	_ =	shalt  }
0x45: {  	_ =	shalt  }
0x46: {  	_ =	shalt  }
0x47: {  	_ =	shalt  }
0x48: {  	_ =	shalt  }
0x49: {  	_ =	shalt  }
0x4a: {  	_ =	shalt  }
0x4b: {  	_ =	shalt  }
0x4c: {  	_ =	shalt  }
0x4d: {  	_ =	shalt  }
0x4e: {  	_ =	shalt  }
0x4f: {  	_ =	shalt  }
0x50: {  	_ =	shalt  }
0x51: {  	_ =	shalt  }
0x52: {  	_ =	shalt  }
0x53: {  	_ =	shalt  }
0x54: {  	_ =	shalt  }
0x55: {  	_ =	shalt  }
0x56: {  	_ =	shalt  }
0x57: {  	_ =	shalt  }
0x58: {  	_ =	shalt  }
0x59: {  	_ =	shalt  }
0x5a: {  	_ =	shalt  }
0x5b: {  	_ =	shalt  }
0x5c: {  	_ =	shalt  }
0x5d: {  	_ =	shalt  }
0x5e: {  	_ =	shalt  }
0x5f: {  	_ =	shalt  }
0x60: {  	_ =	shalt  }
0x61: {  	_ =	shalt  }
0x62: {  	_ =	shalt  }
0x63: {  	_ =	shalt  }
0x64: {  	_ =	shalt  }
0x65: {  	_ =	shalt  }
0x66: {  	_ =	shalt  }
0x67: {  	_ =	shalt  }
0x68: {  	_ =	shalt  }
0x69: {  	_ =	shalt  }
0x6a: {  	_ =	shalt  }
0x6b: {  	_ =	shalt  }
0x6c: {  	_ =	shalt  }
0x6d: {  	_ =	shalt  }
0x6e: {  	_ =	shalt  }
0x6f: {  	_ =	shalt  }
0x70: {  	_ =	shalt  }
0x71: {  	_ =	shalt  }
0x72: {  	_ =	shalt  }
0x73: {  	_ =	shalt  }
0x74: {  	_ =	shalt  }
0x75: {  	_ =	shalt  }
0x76: {  	_ =	shalt  }
0x77: {  	_ =	shalt  }
0x78: {  	_ =	shalt  }
0x79: {  	_ =	shalt  }
0x7a: {  	_ =	shalt  }
0x7b: {  	_ =	shalt  }
0x7c: {  	_ =	shalt  }
0x7d: {  	_ =	shalt  }
0x7e: {  	_ =	shalt  }
0x7f: {  	_ =	shalt  }
0x80: {  	_ =	shalt  }
0x81: {  	_ =	shalt  }
0x82: {  	_ =	shalt  }
0x83: {  	_ =	shalt  }
0x84: {  	_ =	shalt  }
0x85: {  	_ =	shalt  }
0x86: {  	_ =	shalt  }
0x87: {  	_ =	shalt  }
.Lfunc_end0:
.L_simem_size_0:
called_computation_lowered:
.L_overlay_start_0:
0x88: {  	s2 =	sld [smem:$0x3FD9]  }
0x89: {  	s3 =	sld [smem:$0x3FFE];
	_ =	sdelay $0x1  }
0x8a: {  	s1 =	srdreg.scid  }
0x8b: {  	s0 =	sand.u32 $0x1, s1  }
0x8c: {  	s16 =	sshll.u32 s0, $0xA;
	s2 =	sadd.s32 s3, s2  }
0x8d: {  	s2 =	sadd.s32 s2, s16  }
0x8e: {  	[smem:$0x3FBE] =	sst s2  }
0x8f: {  	_ = 	snop  }
0x90: {  	(tm) =	ssettm $0x1  }
0x91: {  	s17 =	sld [smem:$0x3FFB];
	_ =	sdelay $0x3  }
0x92: {  	_ =	strace s17  }
0x93: {  	s2 =	sld [smem:$0x3FFC];
	_ =	sdelay $0x3  }
0x94: {  	_ =	strace s2  }
0x95: {  	s2 =	sld [smem:$0x3FFD];
	_ =	sdelay $0x3  }
0x96: {  	_ =	strace s2  }
0x97: {  	_ =	strace $0x8FFFFFFF  }
0x98: {  	s18 =	sld [smem:$0x3FDB];
	_ =	sdelay $0x1  }
0x99: {  	s19 =	simm.s32 $_scs_section_size  }
0x9a: {  	s4 =	simm.s32 $_size__tile_overlayer_lowered;
	s5 =	simm.s32 $_tile_overlayer_lowered  }
0x9b: {  	s22 =	simm.s32 $0x1BFF;
	s21 =	sshll.u32 s5, $0x1;
	s2 =	sadd.s32 s19, s18  }
0x9c: {  	s6 =	simm.s32 $0x0;
	s20 =	sshll.u32 s4, $0x1;
	s4 =	sadd.s32 s21, s2  }
0x9d: {  	[timem:s6], [sflag:s22] =	dma.local [hbm:s4], s20  }
0x9e: {  	_ =	swait.ge [sflag:s22], s20  }
0x9f: {  	s3 =	ssub.s32 $0x0, s20;
	[sflag:s22] =	ssyncset.done $0x0  }
0xa0: {  	[sflag:s22] =	ssyncadd.s32 s3;
	_ =	sdelay $0x1  }
0xa1: {  	s23 =	simm.s32 $0x1B8B  }
0xa2: {  	_ =	swait.ge [sflag:s23], $0x1  }
0xa3: {  	[sflag:s23] =	ssyncset.done $0x0  }
0xa4: {  	s25 =	simm.s32 $0x1B8E;
	s24 =	sld [smem:$0x3FFE];
	[sflag:s23] =	ssyncadd.s32 $0xFFFFFFFF  }
0xa5: {  	s26 =	simm.s32 $execute0_lowered;
	[smem:$0x3FD2] =	sst s25  }
0xa6: {  	s4 =	sshll.u32 s26, $0x1;
	_ =	strace $0x80000046;
	[dreg:$0x1] =	wrdreg $0xFFFFFFFF  }
0xa7: {  	s28 =	simm.s32 $_size_execute0_lowered;
	s2 =	sadd.s32 s2, s4;
	[dreg:$0x0] =	wrdreg $0x0  }
0xa8: {  	s4 =	sshll.u32 s28, $0x1;
	[dreg:$0x2] =	wrdreg s2  }
0xa9: {  	[dreg:$0x3] =	wrdreg s4  }
0xaa: {  	[dreg:$0x4] =	wrdreg $0xC0  }
0xab: {  	_ =	task [dreg:s6], $0x5FFFF  }
0xac: {  	[dreg:$0x1] =	wrdreg $0xFFFFFFFF  }
0xad: {  	[dreg:$0x0] =	wrdreg $0x60  }
0xae: {  	[dreg:$0x2] =	wrdreg s24  }
0xaf: {  	[dreg:$0x3] =	wrdreg $0x9  }
0xb0: {  	_ =	task.clear_ibuf [dreg:s6], $0x4FFFF;
	_ =	strace $0x90000046  }
0xb1: {  	s29 =	simm.s32 $0x9;
	_ =	strace $0x80000048  }
0xb2: {  	_ =	swait.ge [sflag:s29], $0x1  }
0xb3: {  	[sflag:s29] =	ssyncadd.s32 $0xFFFFFFFF  }
0xb4: {  	_ =	strace $0x90000048  }
0xb5: {  	_ =	sfence  }
0xb6: {  	s30 =	sld [smem:$0x0];
	_ =	sdelay $0x2  }
0xb7: {  	s31 =	sshll.u32 s1, $0xD;
	s1 =	sshrl.u32 s1, $0x2  }
0xb8: {  	s3 =	sand.u32 $0x4000, s31;
	s1 =	sadd.s32 s1, s30  }
0xb9: {  	s0 =	sor.u32 s3, s0;
	s1 =	sshll.u32 s1, $0x11  }
0xba: {  	s0 =	sor.u32 s1, s0  }
0xbb: {  	s0 =	sadd.s32 $0x8F2B, s0  }
0xbc: {  	[sflag:s0] =	ssyncadd.remote.s32 $0x1  }
0xbd: {  	_ =	sfence.sel $0xFFFF  }
0xbe: {  	[dreg:$0x0] =	wrdreg $0xFFFFFFFF;
	(pc) =	sbr.abs _section_cstart, $3  }
0xbf: {  	[dreg:$0x1] =	wrdreg $0xFFFFFFFF  }
0xc0: {  	_ =	task.clear_ibuf [dreg:s6], $0x2FFFF;
	_ =	strace $0x9FFFFFFF  }
0xc1: {  	(tm) =	ssettm $0x7FFFFFFF  }
tec
execute0_lowered:
.L_overlay_start_1:
0x0: {  	(tag) =	ssettag $0x1  }
0x1: {  	s5 =	rddreg [dreg:$0x0]  }
0x2: {  	s0 =	rddreg [dreg:$0x1]  }
0x3: {  	s3 =	srdreg.scid;
	s1 =	stileid.u32;
	s2 =	simm.s32 $0x0  }
0x4: {  	s13 =	simm.s32 $0x4F00;
	s14 =	simm.s32 $0x7700;
	s15 =	simm.s32 $0x1  }
0x5: {  	s16 =	simm.s32 $0x2;
	s17 =	simm.s32 $0x3;
	s18 =	simm.s32 $0x4  }
0x6: {  	s19 =	simm.s32 $0x4E40;
	s20 =	simm.s32 $0x0;
	s7 =	sand.u32 $0x1, s3  }
0x7: {  	s26 =	sshll.u32 s1, $0x1;
	[smem:$0x7FF] =	sst s2;
	s12 =	smul.u32 $0x4E200, s1  }
0x8: {  	s3 =	sadd.s32 $0x29600, s5;
	s6 =	sor.u32 s7, s26;
	s30 =	smul.u32 $0x27100, s7  }
0x9: {  	s4 =	sadd.s32 $0x50800, s5;
	s11 =	sadd.s32 $0x77A00, s5;
	s8 =	smul.u32 $0x2710, s6  }
0xa: {  	_ =	strace $0x80000047;
	s9 =	ssub.s32 $0x2, s7;
	s6 =	smul.u32 $0x138800, s6  }
0xb: {  	s10 =	sshrl.u32 s9, $0x1;
	s31 =	sadd.s32 s12, s11;
	s12 =	simm.s32 $0x50  }
0xc: {  	s9 =	ssub.s32 s9, s10;
	s8 =	sshrl.u32 s8, $0x3;
	s28 =	sshrl.u32 s6, $0x3  }
0xd: {  	s10 =	simm.s32 $0x5;
	s8 =	sadd.s32 s8, s5;
	s29 =	sadd.s32 s11, s28  }
0xe: {  	s11 =	simm.s32 $0x2780;
	s5 =	sadd.s32 $0xBC00, s8;
	s6 =	sadd.s32 $0x15A00, s8  }
0xf: {  	s7 =	sadd.s32 $0x26C00, s29;
	s8 =	smax.u32 s9, $0x1;
	s9 =	sadd.s32 s30, s31  }
.LBB2_1:
0x10: {  	[tilespmem:s2], [sflag:$0x5] =	stream.linear.gather [hbm4b:s5+s2], $0x2710, $0x38;
	[tilespmem:$0x9F00] =	vst v63  }
0x11: {  	_ =	swait.ge [sflag:s10], $0x2710  }
0x12: {  	[sflag:s10] =	ssyncset.done $0x0  }
0x13: {  	[sflag:s10] =	ssyncadd.s32 $0xFFFFD8F0  }
0x14: {  	[tilespmem:s11], [sflag:$0x5] =	stream.linear.gather [hbm4b:s6+s2], $0x2710, $0x38;
	[tilespmem:$0x9F00] =	vst v63  }
0x15: {  	_ =	swait.ge [sflag:s10], $0x2710  }
0x16: {  	[sflag:s10] =	ssyncset.done $0x0  }
0x17: {  	[sflag:s10] =	ssyncadd.s32 $0xFFFFD8F0  }
0x18: {  	[tilespmem:s13], [sflag:$0x1] =	stream.indirect.gather [hbm4b:s3+s12], $0x80, s2, s12, $0xb8;
	[tilespmem:$0x9F00] =	vst v63  }
0x19: {  	s21 =	simm.s32 $0x50  }
0x1a: {  	[tilespmem:s14], [sflag:$0x3] =	stream.indirect.gather [hbm4b:s3+s12], $0x80, s21, s12, $0xb8;
	[tilespmem:$0x9F00] =	vst v63  }
0x1b: {  	_ =	swait.ge [sflag:s15], $0x2800  }
0x1c: {  	[sflag:s15] =	ssyncset.done $0x0  }
0x1d: {  	s28 =	simm.s32 $0x2780;
	[sflag:s15] =	ssyncadd.s32 $0xFFFFD800  }
0x1e: {  	[tilespmem:s13], [sflag:$0x2] =	stream.indirect.gather.add.f32 [hbm:s4], $0x80, s28, s12, $0xb8;
	[tilespmem:$0x9F00] =	vst v63  }
0x1f: {  	_ =	swait.ge [sflag:s16], $0x2800  }
0x20: {  	[sflag:s16] =	ssyncset.done $0x0  }
0x21: {  	[sflag:s16] =	ssyncadd.s32 $0xFFFFD800  }
0x22: {  	[hbm4b:s9+s2] =	stream.linear.scatter [tilespmem:s13], [sflag:$0x5], $0x2800, $0x38;
	[tilespmem:$0x9F00] =	vst v63  }
0x23: {  	_ =	swait.ge [sflag:s10], $0x2800  }
0x24: {  	[sflag:s10] =	ssyncset.done $0x0  }
0x25: {  	s29 =	simm.s32 $0xA0;
	[sflag:s10] =	ssyncadd.s32 $0xFFFFD800  }
0x26: {  	[tilespmem:s13], [sflag:$0x1] =	stream.indirect.gather [hbm4b:s3+s12], $0x80, s29, s12, $0xb8;
	[tilespmem:$0x9F00] =	vst v63  }
0x27: {  	_ =	swait.ge [sflag:s17], $0x2800  }
0x28: {  	[sflag:s17] =	ssyncset.done $0x0  }
0x29: {  	s30 =	simm.s32 $0x27D0;
	[sflag:s17] =	ssyncadd.s32 $0xFFFFD800  }
0x2a: {  	[tilespmem:s14], [sflag:$0x4] =	stream.indirect.gather.add.f32 [hbm:s4], $0x80, s30, s12, $0xb8;
	[tilespmem:$0x9F00] =	vst v63  }
0x2b: {  	_ =	swait.ge [sflag:s18], $0x2800  }
0x2c: {  	[sflag:s18] =	ssyncset.done $0x0  }
0x2d: {  	s31 =	sadd.s32 $0x500, s9;
	[sflag:s18] =	ssyncadd.s32 $0xFFFFD800  }
0x2e: {  	[hbm4b:s31+s2] =	stream.linear.scatter [tilespmem:s14], [sflag:$0x5], $0x2800, $0x38;
	[tilespmem:$0x9F00] =	vst v63  }
0x2f: {  	s23 =	simm.s32 $0x500;
	_ =	swait.ge [sflag:s10], $0x2800  }
0x30: {  	s22 =	simm.s32 $0xA0;
	s21 =	sadd.s32 $0xA00, s9;
	[sflag:s10] =	ssyncset.done $0x0  }
.LBB2_2:
0x31: {  	s24 =	sadd.s32 $0x50, s22  }
0x32: {  	[sflag:s10] =	ssyncadd.s32 $0xFFFFD800;
	s25 =	smov.u32 s23;
	s26 =	sadd.s32 $0x280, s23  }
0x33: {  	[tilespmem:s14], [sflag:$0x3] =	stream.indirect.gather [hbm4b:s3+s12], $0x80, s24, s12, $0xb8;
	[tilespmem:$0x9F00] =	vst v63  }
0x34: {  	p0 =	sne.s32 s23, $0x9880;
	_ =	swait.ge [sflag:s15], $0x2800  }
0x35: {  	[sflag:s15] =	ssyncset.done $0x0  }
0x36: {  	s23 =	sadd.s32 $0x2780, s22;
	[sflag:s15] =	ssyncadd.s32 $0xFFFFD800  }
0x37: {  	[tilespmem:s13], [sflag:$0x2] =	stream.indirect.gather.add.f32 [hbm:s4], $0x80, s23, s12, $0xb8;
	[tilespmem:$0x9F00] =	vst v63  }
0x38: {  	_ =	swait.ge [sflag:s16], $0x2800  }
0x39: {  	[sflag:s16] =	ssyncset.done $0x0  }
0x3a: {  	[sflag:s16] =	ssyncadd.s32 $0xFFFFD800  }
0x3b: {  	[hbm4b:s21+s2] =	stream.linear.scatter [tilespmem:s13], [sflag:$0x5], $0x2800, $0x38;
	[tilespmem:$0x9F00] =	vst v63  }
0x3c: {  	_ =	swait.ge [sflag:s10], $0x2800  }
0x3d: {  	[sflag:s10] =	ssyncset.done $0x0  }
0x3e: {  	s23 =	sadd.s32 $0xA0, s22;
	[sflag:s10] =	ssyncadd.s32 $0xFFFFD800  }
0x3f: {  	[tilespmem:s13], [sflag:$0x1] =	stream.indirect.gather [hbm4b:s3+s12], $0x80, s23, s12, $0xb8;
	[tilespmem:$0x9F00] =	vst v63  }
0x40: {  	_ =	swait.ge [sflag:s17], $0x2800  }
0x41: {  	[sflag:s17] =	ssyncset.done $0x0  }
0x42: {  	s22 =	sadd.s32 $0x27D0, s22;
	[sflag:s17] =	ssyncadd.s32 $0xFFFFD800  }
0x43: {  	[tilespmem:s14], [sflag:$0x4] =	stream.indirect.gather.add.f32 [hbm:s4], $0x80, s22, s12, $0xb8;
	[tilespmem:$0x9F00] =	vst v63  }
0x44: {  	_ =	swait.ge [sflag:s18], $0x2800  }
.Ltmp0:
0x45: {  	[sflag:s18] =	ssyncset.done $0x0;
	(pc) =	sbr.rel @p0 .LBB2_2-.Ltmp0, $4  }
0x46: {  	s22 =	sadd.s32 $0x500, s21;
	[sflag:s18] =	ssyncadd.s32 $0xFFFFD800  }
0x47: {  	[hbm4b:s22+s2] =	stream.linear.scatter [tilespmem:s14], [sflag:$0x5], $0x2800, $0x38;
	[tilespmem:$0x9F00] =	vst v63  }
0x48: {  	s23 =	smov.u32 s26;
	_ =	swait.ge [sflag:s10], $0x2800  }
0x49: {  	s21 =	sadd.s32 $0xA00, s21;
	s22 =	sshra.s32 s25, $0x2;
	[sflag:s10] =	ssyncset.done $0x0  }
0x4a: {  	s23 =	sadd.s32 $0x50, s22;
	[sflag:s10] =	ssyncadd.s32 $0xFFFFD800  }
0x4b: {  	[tilespmem:s14], [sflag:$0x3] =	stream.indirect.gather [hbm4b:s3+s12], $0x80, s23, s12, $0xb8;
	[tilespmem:$0x9F00] =	vst v63  }
0x4c: {  	_ =	swait.ge [sflag:s15], $0x2800  }
0x4d: {  	[sflag:s15] =	ssyncset.done $0x0  }
0x4e: {  	s28 =	sadd.s32 $0x2780, s22;
	[sflag:s15] =	ssyncadd.s32 $0xFFFFD800  }
0x4f: {  	[tilespmem:s13], [sflag:$0x2] =	stream.indirect.gather.add.f32 [hbm:s4], $0x80, s28, s12, $0xb8;
	[tilespmem:$0x9F00] =	vst v63  }
0x50: {  	_ =	swait.ge [sflag:s16], $0x2800  }
0x51: {  	[sflag:s16] =	ssyncset.done $0x0  }
0x52: {  	[sflag:s16] =	ssyncadd.s32 $0xFFFFD800  }
0x53: {  	[hbm4b:s21+s2] =	stream.linear.scatter [tilespmem:s13], [sflag:$0x5], $0x2800, $0x38;
	[tilespmem:$0x9F00] =	vst v63  }
0x54: {  	_ =	swait.ge [sflag:s10], $0x2800  }
0x55: {  	[sflag:s10] =	ssyncset.done $0x0  }
0x56: {  	s29 =	sadd.s32 $0xA0, s22;
	[sflag:s10] =	ssyncadd.s32 $0xFFFFD800  }
0x57: {  	[tilespmem:s13], [sflag:$0x1] =	stream.indirect.gather [hbm4b:s3+s12], $0x80, s29, s12, $0xb8;
	[tilespmem:$0x9F00] =	vst v63  }
0x58: {  	_ =	swait.ge [sflag:s17], $0x2800  }
0x59: {  	[sflag:s17] =	ssyncset.done $0x0  }
0x5a: {  	s30 =	sadd.s32 $0x27D0, s22;
	[sflag:s17] =	ssyncadd.s32 $0xFFFFD800  }
0x5b: {  	[tilespmem:s14], [sflag:$0x4] =	stream.indirect.gather.add.f32 [hbm:s4], $0x80, s30, s12, $0xb8;
	[tilespmem:$0x9F00] =	vst v63  }
0x5c: {  	_ =	swait.ge [sflag:s18], $0x2800  }
0x5d: {  	[sflag:s18] =	ssyncset.done $0x0  }
0x5e: {  	s31 =	sadd.s32 $0x500, s21;
	[sflag:s18] =	ssyncadd.s32 $0xFFFFD800  }
0x5f: {  	[hbm4b:s31+s2] =	stream.linear.scatter [tilespmem:s14], [sflag:$0x5], $0x2800, $0x38;
	[tilespmem:$0x9F00] =	vst v63  }
0x60: {  	_ =	swait.ge [sflag:s10], $0x2800  }
0x61: {  	[sflag:s10] =	ssyncset.done $0x0  }
0x62: {  	[sflag:s10] =	ssyncadd.s32 $0xFFFFD800  }
0x63: {  	_ =	swait.ge [sflag:s15], $0x2800  }
0x64: {  	[sflag:s15] =	ssyncset.done $0x0  }
0x65: {  	[sflag:s15] =	ssyncadd.s32 $0xFFFFD800  }
0x66: {  	[tilespmem:s13], [sflag:$0x2] =	stream.indirect.gather.add.f32 [hbm:s4], $0x80, s19, s12, $0xb8;
	[tilespmem:$0x9F00] =	vst v63  }
0x67: {  	s20 =	sadd.s32 $0x1, s20;
	_ =	swait.ge [sflag:s16], $0x2800  }
0x68: {  	p0 =	sne.s32 s20, s8;
	[sflag:s16] =	ssyncset.done $0x0  }
.Ltmp1:
0x69: {  	[sflag:s16] =	ssyncadd.s32 $0xFFFFD800;
	(pc) =	sbr.rel @p0 .LBB2_1-.Ltmp1, $4  }
0x6a: {  	[hbm4b:s7+s2] =	stream.linear.scatter [tilespmem:s13], [sflag:$0x5], $0x2800, $0x38;
	[tilespmem:$0x9F00] =	vst v63  }
0x6b: {  	_ =	swait.ge [sflag:s10], $0x2800  }
0x6c: {  	[sflag:s10] =	ssyncset.done $0x0  }
0x6d: {  	[sflag:s10] =	ssyncadd.s32 $0xFFFFD800  }
0x6e: {  	_ =	sfence.sel $0x180000  }
0x6f: {  	[bflag:$0x0] =	sbarrier.arrive $0xFFFF  }
0x70: {  	p0 =	sne.s32 s1, $0x0;
	_ =	strace $0x90000047  }
0x71: {  	s0 =	sadd.s32 @!p0 $0x100000, s0;
	[bflag:$0x2] =	sbarrier.arrive $0xFFFF  }
0x72: {  	[sflag:s0] =	ssyncadd.tile.s32 @!p0 $0x1;
	_ =	shalt  }
.Lfunc_end2:
_tile_overlayer_lowered:
.L_overlay_start_2:
0x73: {  	(tag) =	ssettag $0x2  }
0x74: {  	s0 =	rddreg [dreg:$0x0];
	s2 =	stileid.u32  }
0x75: {  	s1 =	rddreg [dreg:$0x1];
	p0 =	sne.s32 s2, $0x0  }
0x76: {  	s3 =	rddreg [dreg:$0x2];
	[bflag:$0x3] =	sbarrier.arrive $0xFFFF;
	s2 =	simm.s32 @!p0 $0x1C05  }
0x77: {  	[timem:s3], [sflag:s2] =	dma.local @!p0 [hbm:s0], s1  }
0x78: {  	s0 =	simm.s32 @!p0 $0x5  }
0x79: {  	_ =	swait.ge @!p0 [sflag:s0], s1  }
0x7a: {  	s1 =	ssub.s32 @!p0 $0x0, s1;
	[sflag:s0] =	ssyncset.done @!p0 $0x0  }
0x7b: {  	[sflag:s0] =	ssyncadd.s32 @!p0 s1  }
0x7c: {  	[bflag:$0x3] =	sbarrier.arrive $0xFFFF  }
0x7d: {  	_ =	shalt  }

</sc_bundles>
